<compile_context>
chip_gen: v7x
topology: tpu7x:2x2x1
jax: 0.10.2.dev20260603
libtpu: 0.0.44.dev20260713+nightly
codegen_flags: <defaults>
</compile_context>

<pallas_src>
import numpy as np
import jax
import jax.numpy as jnp
from jax.experimental import pallas as pl

NUM_CLASS = 40
DIMS = 3
N_PTS = 1024
BATCH = 32
LAYER_CFG = [(3, 32, 8, 1, -1), (32, 64, 8, 2, -1), (64, 96, 8, 4, -1),
             (96, 128, 12, 4, 120), (128, 160, 12, 6, 120)]
_SIDX = np.random.RandomState(123).choice(N_PTS, 120, replace=False)


def _dense(p, x, act=True):
    y = x @ p["W"].T + p["b"]
    return jax.nn.relu(y) if act else y


def _knn_idx(rep, pts, K, D):
    d2 = (jnp.sum(rep * rep, -1)[:, :, None] + jnp.sum(pts * pts, -1)[:, None, :]
          - 2.0 * jnp.einsum('bpd,bnd->bpn', rep, pts))
    idx = jnp.argmax(d2, axis=-1, keepdims=True).astype(jnp.int32)
    idx = (idx + jnp.arange(K * D + 1, dtype=jnp.int32)[None, None, :]) % pts.shape[1]
    return idx[:, :, 1::D][:, :, :K]


def _gather(x, idx):
    K = idx.shape[-1]
    return jnp.broadcast_to(x[:, None, :K, :], (x.shape[0], idx.shape[1], K, x.shape[-1]))


def _pointcnn(p, cfg, rep_pts, pts, fts):
    C_in, C_out, K, D, P = cfg
    fts = _dense(p["dense"], fts)
    idx = _knn_idx(rep_pts, pts, K, D)
    pts_reg = _gather(pts, idx)
    fts_reg = _gather(fts, idx)
    pts_local = pts_reg - rep_pts[:, :, None, :]
    fl = _dense(p["dense2"], _dense(p["dense1"], pts_local))
    fts_cat = jnp.concatenate([fl, fts_reg], axis=-1)
    X = jax.nn.relu(jnp.einsum('bpkc,ock->bpo', pts_local, p["xconv_w"]) + p["xconv_b"])
    X = _dense(p["xd2"], _dense(p["xd1"], X), act=False)
    B, Pn = rep_pts.shape[0], rep_pts.shape[1]
    X = X.reshape(B, Pn, K, K)
    fts_X = jnp.einsum('bpkj,bpjc->bpkc', X, fts_cat)
    dw = jnp.einsum('bpkc,cdk->bpcd', fts_X, p["dw_w"]).reshape(B, Pn, -1) + p["dw_b"]
    y = jax.nn.relu(dw @ p["pw_w"].T)
    y = y / np.sqrt(1.0 + 1e-5) * p["bn_g"] + p["bn_b"]
    return y


def _fc_head_kernel(fts_ref, w1_ref, b1_ref, w2_ref, b2_ref, w3_ref, b3_ref, out_ref):
    f = fts_ref[0]
    f = jax.nn.relu(jnp.dot(f, w1_ref[...], preferred_element_type=jnp.float32) + b1_ref[...])
    f = jax.nn.relu(jnp.dot(f, w2_ref[...], preferred_element_type=jnp.float32) + b2_ref[...])
    logits = jnp.dot(f, w3_ref[...], preferred_element_type=jnp.float32) + b3_ref[...]
    out_ref[...] = jnp.mean(logits, axis=0, keepdims=True)[None]


def kernel(pts, fts, params):
    for i, cfg in enumerate(LAYER_CFG):
        P = cfg[4]
        if 0 < P < pts.shape[1]:
            rep = pts[:, _SIDX, :]
        else:
            rep = pts
        fts = _pointcnn(params["pcnn%d" % i], cfg, rep, pts, fts)
        pts = rep
    p1, p2, p3 = params["fc1"], params["fc2"], params["fc3"]
    out = pl.pallas_call(
        _fc_head_kernel,
        grid=(BATCH,),
        in_specs=[
            pl.BlockSpec((1, 120, 160), lambda b: (b, 0, 0)),
            pl.BlockSpec((160, 128), lambda b: (0, 0)),
            pl.BlockSpec((128,), lambda b: (0,)),
            pl.BlockSpec((128, 64), lambda b: (0, 0)),
            pl.BlockSpec((64,), lambda b: (0,)),
            pl.BlockSpec((64, NUM_CLASS), lambda b: (0, 0)),
            pl.BlockSpec((NUM_CLASS,), lambda b: (0,)),
        ],
        out_specs=pl.BlockSpec((1, 1, NUM_CLASS), lambda b: (b, 0, 0)),
        out_shape=jax.ShapeDtypeStruct((BATCH, 1, NUM_CLASS), jnp.float32),
    )(fts, p1["W"].T, p1["b"], p2["W"].T, p2["b"], p3["W"].T, p3["b"])
    return out[:, 0, :]

# --- scband reference (transcript-rebuilt; emitter-appended) ---
"""Pipeline reference for scband-classifier-31147102831187 (READ-ONLY COPY).

The authoritative reference and input builder live on the scoring server;
editing this copy changes nothing except your own understanding.
"""

import jax, jax.numpy as jnp
import numpy as np

NUM_CLASS = 40
DIMS = 3
N_PTS = 1024
BATCH = 32
LAYER_CFG = [(3, 32, 8, 1, -1), (32, 64, 8, 2, -1), (64, 96, 8, 4, -1), (96, 128, 12, 4, 120), (128, 160, 12, 6, 120)]
_SAMPLE_IDX = np.random.RandomState(123).choice(N_PTS, 120, replace=False)


def _dense_p(key, cin, cout):
    k1, _ = jax.random.split(key)
    return {"W": jax.random.normal(k1, (cout, cin), jnp.float32) / np.sqrt(cin), "b": jnp.zeros((cout,), jnp.float32)}


def _layer_params(key, cfg):
    C_in, C_out, K, D, P = cfg
    C_mid = C_out // 4
    Cx_in = C_out // 2
    dm = min(int(np.ceil(C_out / C_in)), 4)
    Cm = C_mid + Cx_in
    ks = jax.random.split(key, 8)
    return {
        "dense": _dense_p(ks[0], C_in, Cx_in),
        "dense1": _dense_p(ks[1], DIMS, C_mid),
        "dense2": _dense_p(ks[2], C_mid, C_mid),
        "xconv_w": jax.random.normal(ks[3], (K * K, DIMS, K), jnp.float32) / np.sqrt(DIMS * K),
        "xconv_b": jnp.zeros((K * K,), jnp.float32),
        "xd1": _dense_p(ks[4], K * K, K * K),
        "xd2": _dense_p(ks[5], K * K, K * K),
        "dw_w": jax.random.normal(ks[6], (Cm, dm, K), jnp.float32) / np.sqrt(K),
        "dw_b": jnp.zeros((Cm * dm,), jnp.float32),
        "pw_w": jax.random.normal(ks[7], (C_out, Cm * dm), jnp.float32) / np.sqrt(Cm * dm),
        "bn_g": jnp.ones((C_out,), jnp.float32),
        "bn_b": jnp.zeros((C_out,), jnp.float32),
    }


def setup_inputs(seed: int = 0):
    key = jax.random.key(seed)
    kp, kf, kw = jax.random.split(key, 3)
    pts = jax.random.normal(kp, (BATCH, N_PTS, DIMS), jnp.float32)
    fts = jax.random.normal(kf, (BATCH, N_PTS, DIMS), jnp.float32)
    ks = jax.random.split(kw, 8)
    params = {"pcnn%d" % i: _layer_params(ks[i], cfg) for i, cfg in enumerate(LAYER_CFG)}
    params["fc1"] = _dense_p(ks[5], 160, 128)
    params["fc2"] = _dense_p(ks[6], 128, 64)
    params["fc3"] = _dense_p(ks[7], 64, NUM_CLASS)
    return {"pts": pts, "fts": fts, "params": params}


def _dense(p, x, act=True):
    y = x @ p["W"].T + p["b"]
    return jax.nn.relu(y) if act else y


def _knn_idx(rep, pts, K, D):
    # pairwise squared distances (B, P, N), exclude self (rank 0), dilated selection
    d2 = jnp.sum(rep * rep, -1)[:, :, None] + jnp.sum(pts * pts, -1)[:, None, :] - 2.0 * jnp.einsum('bpd,bnd->bpn', rep, pts)
    _, idx = jax.lax.top_k(-d2, K * D + 1)
    return idx[:, :, 1::D][:, :, :K]


def _gather(x, idx):
    return jax.vmap(lambda a, i: a[i])(x, idx)


def _pointcnn(p, cfg, rep_pts, pts, fts):
    C_in, C_out, K, D, P = cfg
    fts = _dense(p["dense"], fts)
    idx = _knn_idx(rep_pts, pts, K, D)
    pts_reg = _gather(pts, idx)
    fts_reg = _gather(fts, idx)
    pts_local = pts_reg - rep_pts[:, :, None, :]
    fl = _dense(p["dense2"], _dense(p["dense1"], pts_local))
    fts_cat = jnp.concatenate([fl, fts_reg], axis=-1)
    # X-transform: Conv2d(dims, K*K, (1,K)) + ReLU, then two Dense layers
    X = jax.nn.relu(jnp.einsum('bpkc,ock->bpo', pts_local, p["xconv_w"]) + p["xconv_b"])
    X = _dense(p["xd2"], _dense(p["xd1"], X), act=False)
    B, Pn = rep_pts.shape[0], rep_pts.shape[1]
    X = X.reshape(B, Pn, K, K)
    fts_X = jnp.einsum('bpkj,bpjc->bpkc', X, fts_cat)
    # SepConv (1,K): depthwise over K then pointwise, ReLU, BatchNorm (eval: rm=0, rv=1)
    dw = jnp.einsum('bpkc,cdk->bpcd', fts_X, p["dw_w"]).reshape(B, Pn, -1) + p["dw_b"]
    y = jax.nn.relu(dw @ p["pw_w"].T)
    y = y / np.sqrt(1.0 + 1e-5) * p["bn_g"] + p["bn_b"]
    return y


def _forward(pts, fts, params):
    for i, cfg in enumerate(LAYER_CFG):
        P = cfg[4]
        if 0 < P < pts.shape[1]:
            rep = pts[:, _SAMPLE_IDX, :]
        else:
            rep = pts
        fts = _pointcnn(params["pcnn%d" % i], cfg, rep, pts, fts)
        pts = rep
    f = _dense(params["fc1"], fts)
    f = _dense(params["fc2"], f)  # dropout = identity at inference
    logits = _dense(params["fc3"], f, act=False)
    return jnp.mean(logits, axis=1)


def reference(pts, fts, params):
    return _forward(pts, fts, params)

if __name__ == "__main__":
    import jax
    _d = setup_inputs()
    print(jax.jit(kernel)(*tuple(_d.values())))

</pallas_src>

<mosaic_0001>
module attributes {stable_mosaic.version = 14 : i64} {
  func.func @_fc_head_kernel(%arg0: i32, %arg1: memref<1x120x160xf32, #tpu.memory_space<vmem>>, %arg2: memref<160x128xf32, #tpu.memory_space<vmem>>, %arg3: memref<128xf32, #tpu.memory_space<vmem>>, %arg4: memref<128x64xf32, #tpu.memory_space<vmem>>, %arg5: memref<64xf32, #tpu.memory_space<vmem>>, %arg6: memref<64x40xf32, #tpu.memory_space<vmem>>, %arg7: memref<40xf32, #tpu.memory_space<vmem>>, %arg8: memref<1x1x40xf32, #tpu.memory_space<vmem>>) attributes {dimension_semantics = [#tpu.dimension_semantics<arbitrary>], iteration_bounds = array<i64: 32>, scalar_prefetch = 0 : i64, scratch_operands = 0 : i64, tpu.core_type = #tpu.core_type<tc>, window_params = [{transform_indices = @transform_0, window_bounds = array<i64: 1, 120, 160>}, {pipeline_mode = #tpu.pipeline_mode<synchronous>, transform_indices = @transform_1, window_bounds = array<i64: 160, 128>}, {pipeline_mode = #tpu.pipeline_mode<synchronous>, transform_indices = @transform_2, window_bounds = array<i64: 128>}, {pipeline_mode = #tpu.pipeline_mode<synchronous>, transform_indices = @transform_3, window_bounds = array<i64: 128, 64>}, {pipeline_mode = #tpu.pipeline_mode<synchronous>, transform_indices = @transform_4, window_bounds = array<i64: 64>}, {pipeline_mode = #tpu.pipeline_mode<synchronous>, transform_indices = @transform_5, window_bounds = array<i64: 64, 40>}, {pipeline_mode = #tpu.pipeline_mode<synchronous>, transform_indices = @transform_6, window_bounds = array<i64: 40>}, {transform_indices = @transform_7, window_bounds = array<i64: 1, 1, 40>}]} {
    %get3A = arith.constant 0 : index
    %get3A_0 = arith.constant 0 : index
    %get3A_1 = arith.constant 0 : index
    %get3A_2 = vector.load %arg1[%get3A, %get3A_0, %get3A_1] : memref<1x120x160xf32, #tpu.memory_space<vmem>>, vector<1x120x160xf32>
    %get3A_3 = vector.shape_cast %get3A_2 : vector<1x120x160xf32> to vector<120x160xf32>
    %get3A_4 = arith.constant 0 : index
    %get3A_5 = arith.constant 0 : index
    %get3A_6 = vector.load %arg2[%get3A_4, %get3A_5] : memref<160x128xf32, #tpu.memory_space<vmem>>, vector<160x128xf32>
    %dot_general3A = arith.constant dense<0.000000e+00> : vector<120x128xf32>
    %dot_general3A_7 = tpu.matmul %get3A_3, %get3A_6, %dot_general3A {dimension_numbers = #tpu.dot_dimension_numbers<[1], [0], [0], [1], [0, 0, 1, 1], [], []>, transpose_lhs_hint = false} : vector<120x160xf32>, vector<160x128xf32>, vector<120x128xf32> -> vector<120x128xf32>
    %get3A_8 = arith.constant 0 : index
    %get3A_9 = vector.load %arg3[%get3A_8] : memref<128xf32, #tpu.memory_space<vmem>>, vector<128xf32>
    %broadcast_in_dim3A = vector.shape_cast %get3A_9 : vector<128xf32> to vector<1x128xf32>
    %add3A = vector.broadcast %broadcast_in_dim3A : vector<1x128xf32> to vector<120x128xf32>
    %add3A_10 = arith.addf %dot_general3A_7, %add3A : vector<120x128xf32>
    %max3A = arith.constant 0.000000e+00 : f32
    %max3A_11 = vector.broadcast %max3A : f32 to vector<120x128xf32>
    %max3A_12 = arith.maximumf %add3A_10, %max3A_11 : vector<120x128xf32>
    %get3A_13 = arith.constant 0 : index
    %get3A_14 = arith.constant 0 : index
    %get3A_15 = vector.load %arg4[%get3A_13, %get3A_14] : memref<128x64xf32, #tpu.memory_space<vmem>>, vector<128x64xf32>
    %dot_general3A_16 = arith.constant dense<0.000000e+00> : vector<120x64xf32>
    %dot_general3A_17 = tpu.matmul %max3A_12, %get3A_15, %dot_general3A_16 {dimension_numbers = #tpu.dot_dimension_numbers<[1], [0], [0], [1], [0, 0, 1, 1], [], []>, transpose_lhs_hint = false} : vector<120x128xf32>, vector<128x64xf32>, vector<120x64xf32> -> vector<120x64xf32>
    %get3A_18 = arith.constant 0 : index
    %get3A_19 = vector.load %arg5[%get3A_18] : memref<64xf32, #tpu.memory_space<vmem>>, vector<64xf32>
    %broadcast_in_dim3A_20 = vector.shape_cast %get3A_19 : vector<64xf32> to vector<1x64xf32>
    %add3A_21 = vector.broadcast %broadcast_in_dim3A_20 : vector<1x64xf32> to vector<120x64xf32>
    %add3A_22 = arith.addf %dot_general3A_17, %add3A_21 : vector<120x64xf32>
    %max3A_23 = arith.constant 0.000000e+00 : f32
    %max3A_24 = vector.broadcast %max3A_23 : f32 to vector<120x64xf32>
    %max3A_25 = arith.maximumf %add3A_22, %max3A_24 : vector<120x64xf32>
    %get3A_26 = arith.constant 0 : index
    %get3A_27 = arith.constant 0 : index
    %get3A_28 = vector.load %arg6[%get3A_26, %get3A_27] : memref<64x40xf32, #tpu.memory_space<vmem>>, vector<64x40xf32>
    %dot_general3A_29 = arith.constant dense<0.000000e+00> : vector<120x40xf32>
    %dot_general3A_30 = tpu.matmul %max3A_25, %get3A_28, %dot_general3A_29 {dimension_numbers = #tpu.dot_dimension_numbers<[1], [0], [0], [1], [0, 0, 1, 1], [], []>, transpose_lhs_hint = false} : vector<120x64xf32>, vector<64x40xf32>, vector<120x40xf32> -> vector<120x40xf32>
    %get3A_31 = arith.constant 0 : index
    %get3A_32 = vector.load %arg7[%get3A_31] : memref<40xf32, #tpu.memory_space<vmem>>, vector<40xf32>
    %broadcast_in_dim3A_33 = vector.shape_cast %get3A_32 : vector<40xf32> to vector<1x40xf32>
    %add3A_34 = vector.broadcast %broadcast_in_dim3A_33 : vector<1x40xf32> to vector<120x40xf32>
    %add3A_35 = arith.addf %dot_general3A_30, %add3A_34 : vector<120x40xf32>
    %reduce_sum3A = arith.constant dense<0.000000e+00> : vector<40xf32>
    %reduce_sum3A_36 = vector.multi_reduction <add>, %add3A_35, %reduce_sum3A [0] : vector<120x40xf32> to vector<40xf32>
    %broadcast_in_dim3A_37 = vector.shape_cast %reduce_sum3A_36 : vector<40xf32> to vector<1x40xf32>
    %div3A = arith.constant 1.200000e+02 : f32
    %div3A_38 = vector.broadcast %div3A : f32 to vector<1x40xf32>
    %div3A_39 = arith.divf %broadcast_in_dim3A_37, %div3A_38 : vector<1x40xf32>
    %broadcast_in_dim3A_40 = vector.shape_cast %div3A_39 : vector<1x40xf32> to vector<1x1x40xf32>
    %swap3A = arith.constant 0 : index
    %swap3A_41 = arith.constant 0 : index
    %swap3A_42 = arith.constant 0 : index
    %swap3A_43 = vector.load %arg8[%swap3A, %swap3A_41, %swap3A_42] : memref<1x1x40xf32, #tpu.memory_space<vmem>>, vector<1x1x40xf32>
    tpu.vector_store %arg8[%swap3A, %swap3A_41, %swap3A_42], %broadcast_in_dim3A_40 {strides = array<i32>} : memref<1x1x40xf32, #tpu.memory_space<vmem>>, vector<1x1x40xf32>,
    return
  }
  func.func @transform_0(%arg0: i32) -> (i32, i32, i32) {
    %c0_i32 = arith.constant 0 : i32
    %c0_i32_0 = arith.constant 0 : i32
    %c0_i32_1 = arith.constant 0 : i32
    return %arg0, %c0_i32, %c0_i32_0 : i32, i32, i32
  }
  func.func @transform_1(%arg0: i32) -> (i32, i32) {
    %c0_i32 = arith.constant 0 : i32
    %c0_i32_0 = arith.constant 0 : i32
    %c0_i32_1 = arith.constant 0 : i32
    return %c0_i32, %c0_i32_0 : i32, i32
  }
  func.func @transform_2(%arg0: i32) -> i32 {
    %c0_i32 = arith.constant 0 : i32
    %c0_i32_0 = arith.constant 0 : i32
    return %c0_i32 : i32
  }
  func.func @transform_3(%arg0: i32) -> (i32, i32) {
    %c0_i32 = arith.constant 0 : i32
    %c0_i32_0 = arith.constant 0 : i32
    %c0_i32_1 = arith.constant 0 : i32
    return %c0_i32, %c0_i32_0 : i32, i32
  }
  func.func @transform_4(%arg0: i32) -> i32 {
    %c0_i32 = arith.constant 0 : i32
    %c0_i32_0 = arith.constant 0 : i32
    return %c0_i32 : i32
  }
  func.func @transform_5(%arg0: i32) -> (i32, i32) {
    %c0_i32 = arith.constant 0 : i32
    %c0_i32_0 = arith.constant 0 : i32
    %c0_i32_1 = arith.constant 0 : i32
    return %c0_i32, %c0_i32_0 : i32, i32
  }
  func.func @transform_6(%arg0: i32) -> i32 {
    %c0_i32 = arith.constant 0 : i32
    %c0_i32_0 = arith.constant 0 : i32
    return %c0_i32 : i32
  }
  func.func @transform_7(%arg0: i32) -> (i32, i32, i32) {
    %c0_i32 = arith.constant 0 : i32
    %c0_i32_0 = arith.constant 0 : i32
    %c0_i32_1 = arith.constant 0 : i32
    return %arg0, %c0_i32, %c0_i32_0 : i32, i32, i32
  }
}

</mosaic_0001>

<sc_bundles>
// kernel: gather_offload_async_start
scs
__scs_entry_jumppad:
0x0: {  	(pc) =	sbr.rel $0x88, $3  }
0x1: {  	(tag) =	ssettag $0x0;
	lr =	simm.s32 $0x1  }
0x2: {  	[smem:$0x3F44] =	sst lr;
	_ =	strace $0xD0000000  }
0x3: {  	_ = 	snop  }
0x4: {  	_ = 	snop  }
0x5: {  	_ = 	snop  }
0x6: {  	_ = 	snop  }
0x7: {  	_ = 	snop  }
__scs_overlays_trampoline_lowered:
0x8: {  	[smem:$0x3F53] =	sst s0  }
0x9: {  	[smem:$0x3F54] =	sst s1  }
0xa: {  	[smem:$0x3F55] =	sst s2  }
0xb: {  	[smem:$0x3F56] =	sst s3  }
0xc: {  	[smem:$0x3F57] =	sst s4  }
0xd: {  	[smem:$0x3F58] =	sst s5  }
0xe: {  	[smem:$0x3F59] =	sst s6  }
0xf: {  	[smem:$0x3F5A] =	sst s7  }
0x10: {  	[smem:$0x3F5B] =	sst s8  }
0x11: {  	[smem:$0x3F5C] =	sst s9;
	s0 =	simm.s32 @!p0 $0x0  }
0x12: {  	s1 =	sld [smem:$0x3F42];
	s0 =	simm.s32 @p0 $0x1  }
0x13: {  	[smem:$0x3F5D] =	sst s0;
	s0 =	simm.s32 @!p1 $0x0  }
0x14: {  	s2 =	sld [smem:$0x3F41];
	s0 =	simm.s32 @p1 $0x1  }
0x15: {  	[smem:$0x3F5E] =	sst s0;
	s0 =	simm.s32 @!p2 $0x0  }
0x16: {  	s3 =	sld [smem:$0x3FDB];
	s0 =	simm.s32 @p2 $0x1  }
0x17: {  	s4 =	simm.s32 $0x1BF5;
	[smem:$0x3F60] =	sst s0  }
0x18: {  	s0 =	sld [smem:$0x3F43];
	_ =	swait.ge [sflag:s4], $0x0  }
0x19: {  	s7 =	sld [smem:$0x3F44]  }
0x1a: {  	s8 =	sadd.s32 $0xFFFFE003, lr  }
0x1b: {  	s9 =	sadd.s32 $0xFFFFFEF7, lr;
	s5 =	simm.s32 $0xFFFFFFFF;
	p2 =	slt.u32 s8, $0xFFFFF086  }
0x1c: {  	p1 =	slt.u32 s9, $0xF7A;
	s5 =	simm.s32 @!p2 $0x0  }
0x1d: {  	s5 =	simm.s32 @p1 $0x1;
	p0 =	seq.s32 s7, s2  }
0x1e: {  	s7 =	smul.u32 @!p0 $0xF7A, s2;
	p2 =	seq.s32 @!p0 s5, $0x0  }
0x1f: {  	s9 =	smul.u32 $0xF7A, s1;
	s8 =	simm.s32 @!p0 $0x1BF5;
	p2 =	por !p2, p0  }
0x20: {  	[sflag:s8] =	ssyncset.s32 @!p0 $0xFFFFF086;
	s6 =	sadd.s32 @!p0 s3, s7;
	s7 =	simm.s32 @!p0 $0x108  }
0x21: {  	s3 =	sadd.s32 s3, s9;
	s6 =	sadd.s32 @!p0 $0x88, s6;
	s7 =	simm.s32 @p2 $0x1082  }
0x22: {  	[simem:s7], [sflag:s8] =	dma.local @!p0 [hbm:s6], $0xF7A  }
0x23: {  	s9 =	sor.u32 $0xD0000000, s2;
	s6 =	simm.s32 $0x108;
	_ =	swait.ge @!p0 [sflag:s8], $0x0  }
0x24: {  	s3 =	sadd.s32 $0x88, s3;
	s6 =	simm.s32 @!p1 $0x1082;
	[sflag:s4] =	ssyncset.s32 $0xFFFFF086  }
0x25: {  	[simem:s6], [sflag:s4] =	dma.local [hbm:s3], $0xF7A  }
0x26: {  	[smem:$0x3F44] =	sst s1;
	(tag) =	ssettag s2;
	_ =	strace s9  }
0x27: {  	s1 =	sld [smem:$0x3F54]  }
0x28: {  	s2 =	sld [smem:$0x3F55]  }
0x29: {  	s4 =	sld [smem:$0x3F57]  }
0x2a: {  	p0 =	seq.s32 s5, $0x0;
	s5 =	sld [smem:$0x3F58]  }
0x2b: {  	s6 =	sld [smem:$0x3F59]  }
0x2c: {  	s7 =	sld [smem:$0x3F5A]  }
0x2d: {  	s3 =	simm.s32 $0x108;
	s8 =	sld [smem:$0x3F5B]  }
0x2e: {  	s3 =	simm.s32 @!p0 $0x1082;
	s9 =	sld [smem:$0x3F5C]  }
0x2f: {  	lr =	sadd.s32 s0, s3;
	s0 =	sld [smem:$0x3F53]  }
0x30: {  	s3 =	sld [smem:$0x3F56]  }
0x31: {  	[smem:$0x3F5F] =	sst s10  }
0x32: {  	s10 =	sld [smem:$0x3F5D];
	_ =	sdelay $0x3  }
0x33: {  	p0 =	seq.s32 s10, $0x1;
	s10 =	sld [smem:$0x3F5F];
	_ =	sdelay $0x3  }
0x34: {  	[smem:$0x3F5F] =	sst s10  }
0x35: {  	s10 =	sld [smem:$0x3F5E];
	_ =	sdelay $0x3  }
0x36: {  	p1 =	seq.s32 s10, $0x1;
	s10 =	sld [smem:$0x3F5F];
	_ =	sdelay $0x3  }
0x37: {  	[smem:$0x3F5F] =	sst s10  }
0x38: {  	s10 =	sld [smem:$0x3F60]  }
0x39: {  	_ = 	snop;
	(pc) =	sbr.ind lr, $3  }
0x3a: {  	_ = 	snop  }
0x3b: {  	_ = 	snop  }
0x3c: {  	p2 =	seq.s32 s10, $0x1;
	s10 =	sld [smem:$0x3F5F]  }
0x3d: {  	_ =	shalt  }
0x3e: {  	_ =	shalt  }
0x3f: {  	_ =	shalt  }
0x40: {  	_ =	shalt  }
0x41: {  	_ =	shalt  }
0x42: {  	_ =	shalt  }
0x43: {  	_ =	shalt  }
0x44: {  	_ =	shalt  }
0x45: {  	_ =	shalt  }
0x46: {  	_ =	shalt  }
0x47: {  	_ =	shalt  }
0x48: {  	_ =	shalt  }
0x49: {  	_ =	shalt  }
0x4a: {  	_ =	shalt  }
0x4b: {  	_ =	shalt  }
0x4c: {  	_ =	shalt  }
0x4d: {  	_ =	shalt  }
0x4e: {  	_ =	shalt  }
0x4f: {  	_ =	shalt  }
0x50: {  	_ =	shalt  }
0x51: {  	_ =	shalt  }
0x52: {  	_ =	shalt  }
0x53: {  	_ =	shalt  }
0x54: {  	_ =	shalt  }
0x55: {  	_ =	shalt  }
0x56: {  	_ =	shalt  }
0x57: {  	_ =	shalt  }
0x58: {  	_ =	shalt  }
0x59: {  	_ =	shalt  }
0x5a: {  	_ =	shalt  }
0x5b: {  	_ =	shalt  }
0x5c: {  	_ =	shalt  }
0x5d: {  	_ =	shalt  }
0x5e: {  	_ =	shalt  }
0x5f: {  	_ =	shalt  }
0x60: {  	_ =	shalt  }
0x61: {  	_ =	shalt  }
0x62: {  	_ =	shalt  }
0x63: {  	_ =	shalt  }
0x64: {  	_ =	shalt  }
0x65: {  	_ =	shalt  }
0x66: {  	_ =	shalt  }
0x67: {  	_ =	shalt  }
0x68: {  	_ =	shalt  }
0x69: {  	_ =	shalt  }
0x6a: {  	_ =	shalt  }
0x6b: {  	_ =	shalt  }
0x6c: {  	_ =	shalt  }
0x6d: {  	_ =	shalt  }
0x6e: {  	_ =	shalt  }
0x6f: {  	_ =	shalt  }
0x70: {  	_ =	shalt  }
0x71: {  	_ =	shalt  }
0x72: {  	_ =	shalt  }
0x73: {  	_ =	shalt  }
0x74: {  	_ =	shalt  }
0x75: {  	_ =	shalt  }
0x76: {  	_ =	shalt  }
0x77: {  	_ =	shalt  }
0x78: {  	_ =	shalt  }
0x79: {  	_ =	shalt  }
0x7a: {  	_ =	shalt  }
0x7b: {  	_ =	shalt  }
0x7c: {  	_ =	shalt  }
0x7d: {  	_ =	shalt  }
0x7e: {  	_ =	shalt  }
0x7f: {  	_ =	shalt  }
0x80: {  	_ =	shalt  }
0x81: {  	_ =	shalt  }
0x82: {  	_ =	shalt  }
0x83: {  	_ =	shalt  }
0x84: {  	_ =	shalt  }
0x85: {  	_ =	shalt  }
0x86: {  	_ =	shalt  }
0x87: {  	_ =	shalt  }
.Lfunc_end0:
.L_simem_size_0:
called_computation.2_lowered:
.L_overlay_start_0:
0x88: {  	s2 =	sld [smem:$0x3FD9]  }
0x89: {  	s3 =	sld [smem:$0x3FFE];
	_ =	sdelay $0x1  }
0x8a: {  	s1 =	srdreg.scid  }
0x8b: {  	s0 =	sand.u32 $0x1, s1  }
0x8c: {  	s16 =	sshll.u32 s0, $0xA;
	s2 =	sadd.s32 s3, s2  }
0x8d: {  	s2 =	sadd.s32 s2, s16  }
0x8e: {  	[smem:$0x3F6B] =	sst s2  }
0x8f: {  	_ = 	snop  }
0x90: {  	(tm) =	ssettm $0x1  }
0x91: {  	s17 =	sld [smem:$0x3FFB];
	_ =	sdelay $0x3  }
0x92: {  	_ =	strace s17  }
0x93: {  	s2 =	sld [smem:$0x3FFC];
	_ =	sdelay $0x3  }
0x94: {  	_ =	strace s2  }
0x95: {  	s2 =	sld [smem:$0x3FFD];
	_ =	sdelay $0x3  }
0x96: {  	_ =	strace s2  }
0x97: {  	_ =	strace $0x8FFFFFFF  }
0x98: {  	s18 =	sld [smem:$0x3FDB];
	_ =	sdelay $0x1  }
0x99: {  	s19 =	simm.s32 $_scs_section_size  }
0x9a: {  	s4 =	simm.s32 $_size__tile_overlayer_lowered;
	s5 =	simm.s32 $_tile_overlayer_lowered  }
0x9b: {  	s22 =	simm.s32 $0x1BFF;
	s21 =	sshll.u32 s5, $0x1;
	s2 =	sadd.s32 s19, s18  }
0x9c: {  	s6 =	simm.s32 $0x0;
	s20 =	sshll.u32 s4, $0x1;
	s4 =	sadd.s32 s21, s2  }
0x9d: {  	[timem:s6], [sflag:s22] =	dma.local [hbm:s4], s20  }
0x9e: {  	_ =	swait.ge [sflag:s22], s20  }
0x9f: {  	s3 =	ssub.s32 $0x0, s20;
	[sflag:s22] =	ssyncset.done $0x0  }
0xa0: {  	[sflag:s22] =	ssyncadd.s32 s3;
	_ =	sdelay $0x1  }
0xa1: {  	s23 =	simm.s32 $0x1B8B  }
0xa2: {  	_ =	swait.ge [sflag:s23], $0x1  }
0xa3: {  	[sflag:s23] =	ssyncset.done $0x0  }
0xa4: {  	s25 =	simm.s32 $0x1B8E;
	s24 =	sld [smem:$0x3FFE];
	[sflag:s23] =	ssyncadd.s32 $0xFFFFFFFF  }
0xa5: {  	s26 =	simm.s32 $execute0_lowered;
	[smem:$0x3FD2] =	sst s25  }
0xa6: {  	s4 =	sshll.u32 s26, $0x1;
	_ =	strace $0x80000046;
	[dreg:$0x1] =	wrdreg $0xFFFFFFFF  }
0xa7: {  	s28 =	simm.s32 $_size_execute0_lowered;
	s2 =	sadd.s32 s2, s4;
	[dreg:$0x0] =	wrdreg $0x0  }
0xa8: {  	s4 =	sshll.u32 s28, $0x1;
	[dreg:$0x2] =	wrdreg s2  }
0xa9: {  	[dreg:$0x3] =	wrdreg s4  }
0xaa: {  	[dreg:$0x4] =	wrdreg $0xC0  }
0xab: {  	_ =	task [dreg:s6], $0x5FFFF  }
0xac: {  	[dreg:$0x1] =	wrdreg $0xFFFFFFFF  }
0xad: {  	[dreg:$0x0] =	wrdreg $0x60  }
0xae: {  	[dreg:$0x2] =	wrdreg s24  }
0xaf: {  	[dreg:$0x3] =	wrdreg $0xA  }
0xb0: {  	_ =	task.clear_ibuf [dreg:s6], $0x4FFFF;
	_ =	strace $0x90000046  }
0xb1: {  	s29 =	simm.s32 $0xA;
	_ =	strace $0x80000048  }
0xb2: {  	_ =	swait.ge [sflag:s29], $0x1  }
0xb3: {  	[sflag:s29] =	ssyncadd.s32 $0xFFFFFFFF  }
0xb4: {  	_ =	strace $0x90000048  }
0xb5: {  	_ =	sfence  }
0xb6: {  	s30 =	sld [smem:$0x0];
	_ =	sdelay $0x2  }
0xb7: {  	s31 =	sshll.u32 s1, $0xD;
	s1 =	sshrl.u32 s1, $0x2  }
0xb8: {  	s3 =	sand.u32 $0x4000, s31;
	s1 =	sadd.s32 s1, s30  }
0xb9: {  	s0 =	sor.u32 s3, s0;
	s1 =	sshll.u32 s1, $0x11  }
0xba: {  	s0 =	sor.u32 s1, s0  }
0xbb: {  	s0 =	sadd.s32 $0x8F2B, s0  }
0xbc: {  	[sflag:s0] =	ssyncadd.remote.s32 $0x1  }
0xbd: {  	_ =	sfence.sel $0xFFFF  }
0xbe: {  	[dreg:$0x0] =	wrdreg $0xFFFFFFFF;
	(pc) =	sbr.abs _section_cstart, $3  }
0xbf: {  	[dreg:$0x1] =	wrdreg $0xFFFFFFFF  }
0xc0: {  	_ =	task.clear_ibuf [dreg:s6], $0x2FFFF;
	_ =	strace $0x9FFFFFFF  }
0xc1: {  	(tm) =	ssettm $0x7FFFFFFF  }
tec
execute0_lowered:
.L_overlay_start_1:
0x0: {  	(tag) =	ssettag $0x1  }
0x1: {  	s0 =	srdreg.scid  }
0x2: {  	s1 =	sshll.u32 s0, $0x4  }
0x3: {  	s0 =	stileid.u32;
	s1 =	sand.u32 $0x10, s1  }
0x4: {  	s1 =	sor.u32 s0, s1  }
0x5: {  	s2 =	smul.u32 $0x3, s1  }
0x6: {  	s3 =	smin.u32 s1, $0x18  }
0x7: {  	s2 =	sadd.s32 s3, s2  }
0x8: {  	p0 =	slt.u32 s1, $0x18;
	s1 =	simm.s32 $0x600;
	s2 =	smul.u32 $0x180, s2  }
0x9: {  	s1 =	simm.s32 @!p0 $0x480  }
0xa: {  	s1 =	sadd.s32 s1, s2  }
0xb: {  	s3 =	smin.u32 s1, $0xB400  }
0xc: {  	s7 =	ssub.s32 s3, s2  }
0xd: {  	p0 =	sgt.s32 s7, $0x0  }
0xe: {  	s7 =	simm.s32 @!p0 $0x0  }
0xf: {  	s31 =	smul.u32 $0xAAAB, s7  }
0x10: {  	s9 =	rddreg [dreg:$0x0];
	s6 =	simm.s32 $0x1;
	s11 =	simm.s32 $0x3  }
0x11: {  	s13 =	simm.s32 $0x0;
	s12 =	simm.s32 $0x0;
	s8 =	sshrl.u32 s31, $0x18  }
0x12: {  	s4 =	sadd.s32 $0xDA00, s9;
	s5 =	sadd.s32 $0x9E800, s9;
	s10 =	smul.u32 $0x180, s8  }
.Ltmp0:
0x13: {  	s9 =	sadd.s32 $0xA0000, s9;
	s1 =	rddreg [dreg:$0x1];
	(pc) =	sbr.rel .LBB2_1-.Ltmp0, $4  }
0x14: {  	_ =	strace $0x80000047;
	p0 =	sne.s32 s7, s10;
	s10 =	simm.s32 $0x1  }
0x15: {  	[sflag:s6] =	ssyncpa.u1 $0x0;
	s7 =	simm.s32 $0x2;
	s10 =	simm.s32 @!p0 $0x0  }
0x16: {  	[sflag:s7] =	ssyncpa.u1 $0x0;
	p0 =	por $0x0, $0x0;
	s8 =	sadd.s32 s8, s10  }
0x17: {  	vm0 =	vmmov $0xff;
	vm1 =	vcmask $0x3F20;
	[sflag:s11] =	ssyncpa.u1 $0x0;
	s11 =	smov.u32 s2;
	s10 =	sadd.s32 $0x1, s8  }
.LBB2_6:
0x18: {  	[hbm:s17] =	stream.linear.scatter [tilespmem:s14], [sflag:$0x3], $0x400, $0x38;
	[tilespmem:$0x18300] =	vst v63  }
.LBB2_7:
0x19: {  	s13 =	sadd.s32 $0x180, s11  }
0x1a: {  	s15 =	smov.u32 s2;
	p2 =	slt.s32 s13, s3  }
0x1b: {  	s15 =	smov.u32 @p2 s13;
	p2 =	sne.s32 s12, s10  }
.Ltmp1:
0x1c: {  	p1 =	slt.u32 s12, $0x2;
	(pc) =	sbr.rel @!p2 .LBB2_8-.Ltmp1, $4  }
0x1d: {  	s14 =	simm.s32 @!p1 $0x3  }
0x1e: {  	s16 =	sadd.s32 $0x1, s12;
	_ =	swait.ge @!p1 [sflag:s14], $0xC000  }
0x1f: {  	p0 =	por !p0, !p0;
	s13 =	smov.u32 s11;
	[sflag:s14] =	ssyncset.done @!p1 $0x0  }
0x20: {  	s12 =	smov.u32 s16;
	s11 =	smov.u32 s15;
	[sflag:s14] =	ssyncadd.s32 @!p1 $0xFFFF4000  }
.LBB2_1:
0x21: {  	p1 =	sge.u32 s12, s8  }
0x22: {  	s14 =	sxor.u32 @!p1 $0xFFFFFFFF, s12  }
0x23: {  	s14 =	sand.u32 @!p1 $0x1, s14  }
0x24: {  	s14 =	smul.u32 @!p1 $0x600, s14  }
0x25: {  	s31 =	sadd.s32 $0xFFFFFFFF, s12;
	s15 =	sshrl.u32 @!p1 s11, $0x3  }
0x26: {  	s16 =	sand.u32 @!p1 $0x7, s11;
	s15 =	sadd.s32 @!p1 s5, s15;
	s14 =	sshrl.u32 @!p1 s14, $0x2  }
0x27: {  	[tilespmem:s14], [sflag:$0x2] =	stream.linear.gather @!p1 [hbm4b:s15+s16], $0x180, $0x38;
	[tilespmem:$0x18300] =	vst v63  }
0x28: {  	p1 =	sge.u32 s31, s8  }
.Ltmp2:
0x29: {  	_ = 	snop;
	(pc) =	sbr.rel @p1 .LBB2_7-.Ltmp2, $1  }
0x2a: {  	_ =	sdelay $0x3  }
0x2b: {  	s14 =	simm.s32 $0x1  }
0x2c: {  	s14 =	simm.s32 @!p0 $0x0  }
0x2d: {  	s15 =	smul.u32 $0x600, s14  }
0x2e: {  	_ =	swait.ge [sflag:s7], $0x180  }
0x2f: {  	[sflag:s7] =	ssyncset.done $0x0;
	s16 =	sshrl.u32 s15, $0x2  }
0x30: {  	[sflag:s7] =	ssyncadd.s32 $0xFFFFFE80;
	s15 =	sadd.s32 $0x0, s16  }
0x31: {  	v0 =	vld.msk [tilespmem:s15+$0x0 ss:$0x1], $0xffff;
	_ =	sdelay $0x4  }
0x32: {  	v1 =	vshll.u32 v0, $0x2  }
0x33: {  	vm2 =	veq.s32 v0, $0x80000000;
	v0 =	vshll.u32 v0, $0x11;
	v1 =	vand.u32 $0x1FF80, v1  }
0x34: {  	v0 =	vand.u32 $0x3E0000, v0;
	v1 =	vsel vm2, $0xFFFFFF80, v1  }
0x35: {  	v0 =	vsel vm2, $0xFFFE0000, v0;
	v2 =	vand.u32 $0xFFFFFC00, v1  }
0x36: {  	v1 =	vand.u32 $0x380, v1;
	v0 =	vadd.s32 v0, v2  }
0x37: {  	v0 =	vor.u32 v1, v0  }
0x38: {  	v0 =	vshrl.u32 v0, $0x3  }
0x39: {  	s14 =	smul.u32 $0x30000, s14;
	_ =	sdelay $0x1  }
0x3a: {  	s14 =	sshrl.u32 s14, $0x2  }
0x3b: {  	s14 =	sor.u32 $0x300, s14  }
0x3c: {  	[tilespmem:s14], [sflag:$0x1] =	stream.indirect_vreg.gather [hbm:s4], $0x80, v0, vm0, $0x38;
	[tilespmem:$0x18300] =	vst v63  }
0x3d: {  	s17 =	sadd.s32 $0x10, s16;
	s15 =	sadd.s32 $0x400, s14  }
0x3e: {  	[tilespmem:s15], [sflag:$0x1] =	stream.indirect_vreg.gather [hbm:s4], $0x80, v0, vm1, $0x38;
	[tilespmem:$0x18300] =	vst v63  }
0x3f: {  	s18 =	simm.s32 $0x80;
	v0 =	vld.msk [tilespmem:s17+$0x0 ss:$0x1], $0xffff;
	s17 =	smov.u32 s14  }
.LBB2_3:
0x40: {  	p1 =	sne.s32 s18, $0x5C0;
	_ =	sdelay $0x4  }
0x41: {  	v1 =	vshll.u32 v0, $0x2  }
0x42: {  	vm2 =	veq.s32 v0, $0x80000000;
	v0 =	vshll.u32 v0, $0x11;
	v1 =	vand.u32 $0x1FF80, v1  }
0x43: {  	v0 =	vand.u32 $0x3E0000, v0;
	v1 =	vsel vm2, $0xFFFFFF80, v1  }
0x44: {  	v0 =	vsel vm2, $0xFFFE0000, v0;
	v2 =	vand.u32 $0xFFFFFC00, v1  }
0x45: {  	v1 =	vand.u32 $0x380, v1;
	v0 =	vadd.s32 v0, v2  }
0x46: {  	v0 =	vor.u32 v1, v0  }
0x47: {  	v0 =	vshrl.u32 v0, $0x3;
	_ =	sdelay $0x3  }
.Ltmp3:
0x48: {  	s19 =	sshra.s32 s18, $0x2;
	s17 =	sadd.s32 $0x800, s17;
	(pc) =	sbr.rel @p1 .LBB2_3-.Ltmp3, $4  }
0x49: {  	[tilespmem:s17], [sflag:$0x1] =	stream.indirect_vreg.gather [hbm:s4], $0x80, v0, vm0, $0x38;
	[tilespmem:$0x18300] =	vst v63  }
0x4a: {  	s19 =	sadd.s32 s19, s16;
	s20 =	sadd.s32 $0x400, s17  }
0x4b: {  	[tilespmem:s20], [sflag:$0x1] =	stream.indirect_vreg.gather [hbm:s4], $0x80, v0, vm1, $0x38;
	[tilespmem:$0x18300] =	vst v63  }
0x4c: {  	s18 =	sadd.s32 $0x40, s18;
	v0 =	vld.msk [tilespmem:s19+$0x0 ss:$0x1], $0xffff  }
0x4d: {  	_ =	sdelay $0x3  }
0x4e: {  	v1 =	vshll.u32 v0, $0x2  }
0x4f: {  	vm2 =	veq.s32 v0, $0x80000000;
	v63 =	vshll.u32 v0, $0x11;
	v1 =	vand.u32 $0x1FF80, v1  }
0x50: {  	v0 =	vand.u32 $0x3E0000, v63;
	v1 =	vsel vm2, $0xFFFFFF80, v1  }
0x51: {  	v0 =	vsel vm2, $0xFFFE0000, v0;
	v2 =	vand.u32 $0xFFFFFC00, v1  }
0x52: {  	v1 =	vand.u32 $0x380, v1;
	v0 =	vadd.s32 v0, v2  }
0x53: {  	v0 =	vor.u32 v1, v0  }
0x54: {  	v0 =	vshrl.u32 v0, $0x3;
	_ =	sdelay $0x3  }
0x55: {  	s16 =	sadd.s32 $0x800, s17  }
0x56: {  	[tilespmem:s16], [sflag:$0x1] =	stream.indirect_vreg.gather [hbm:s4], $0x80, v0, vm0, $0x38;
	[tilespmem:$0x18300] =	vst v63  }
0x57: {  	s16 =	sadd.s32 $0x400, s16  }
0x58: {  	[tilespmem:s16], [sflag:$0x1] =	stream.indirect_vreg.gather [hbm:s4], $0x80, v0, vm1, $0x38;
	[tilespmem:$0x18300] =	vst v63  }
0x59: {  	s13 =	sshll.u32 s13, $0x4;
	_ =	swait.ge [sflag:s6], $0xC000  }
0x5a: {  	s13 =	sadd.s32 s13, s9;
	[sflag:s6] =	ssyncset.done $0x0  }
0x5b: {  	s17 =	sadd.s32 $0x0, s13;
	s16 =	simm.s32 $0x80;
	[sflag:s6] =	ssyncadd.s32 $0xFFFF4000  }
.LBB2_5:
0x5c: {  	[hbm:s17] =	stream.linear.scatter [tilespmem:s14], [sflag:$0x3], $0x400, $0x38;
	[tilespmem:$0x18300] =	vst v63  }
0x5d: {  	s17 =	smov.u32 s16;
	s14 =	smov.u32 s15;
	p1 =	sne.s32 s16, $0x1780  }
.Ltmp4:
0x5e: {  	s16 =	sadd.s32 $0x80, s16;
	(pc) =	sbr.rel @p1 .LBB2_5-.Ltmp4, $2  }
0x5f: {  	_ =	sdelay $0x2  }
0x60: {  	s15 =	sadd.s32 $0x400, s15;
	s17 =	sadd.s32 s17, s13  }
.Ltmp5:
0x61: {  	_ = 	snop;
	(pc) =	sbr.rel .LBB2_6-.Ltmp5, $1  }
0x62: {  	_ =	sdelay $0x3  }
.LBB2_8:
0x63: {  	_ =	sfence.sel $0x180000  }
0x64: {  	s2 =	simm.s32 $0x2;
	[bflag:$0x0] =	sbarrier.arrive $0xFFFF  }
0x65: {  	s30 =	simm.s32 $0x3;
	[sflag:s2] =	ssyncpa.u1 $0x1  }
0x66: {  	s31 =	simm.s32 $0x1;
	[sflag:s30] =	ssyncpa.u1 $0x1  }
0x67: {  	[sflag:s31] =	ssyncpa.u1 $0x1  }
0x68: {  	p0 =	sne.s32 s0, $0x0;
	_ =	strace $0x90000047  }
0x69: {  	s0 =	sadd.s32 @!p0 $0x100000, s1;
	[bflag:$0x2] =	sbarrier.arrive $0xFFFF  }
0x6a: {  	[sflag:s0] =	ssyncadd.tile.s32 @!p0 $0x1;
	_ =	shalt  }
.Lfunc_end2:
_tile_overlayer_lowered:
.L_overlay_start_2:
0x6b: {  	(tag) =	ssettag $0x2  }
0x6c: {  	s0 =	rddreg [dreg:$0x0];
	s2 =	stileid.u32  }
0x6d: {  	s1 =	rddreg [dreg:$0x1];
	p0 =	sne.s32 s2, $0x0  }
0x6e: {  	s3 =	rddreg [dreg:$0x2];
	[bflag:$0x3] =	sbarrier.arrive $0xFFFF;
	s2 =	simm.s32 @!p0 $0x1C01  }
0x6f: {  	[timem:s3], [sflag:s2] =	dma.local @!p0 [hbm:s0], s1  }
0x70: {  	s0 =	simm.s32 @!p0 $0x1  }
0x71: {  	_ =	swait.ge @!p0 [sflag:s0], s1  }
0x72: {  	s1 =	ssub.s32 @!p0 $0x0, s1;
	[sflag:s0] =	ssyncset.done @!p0 $0x0  }
0x73: {  	[sflag:s0] =	ssyncadd.s32 @!p0 s1  }
0x74: {  	[bflag:$0x3] =	sbarrier.arrive $0xFFFF  }
0x75: {  	_ =	shalt  }

// kernel: sparse-core-data-format-call.1.cloned.1.call-start
scs
called_computation.1_lowered:
.L_overlay_start_0:
0x0: {  	s2 =	sld [smem:$0x3FD9]  }
0x1: {  	s3 =	sld [smem:$0x3FFE];
	_ =	sdelay $0x1  }
0x2: {  	s1 =	srdreg.scid  }
0x3: {  	s0 =	sand.u32 $0x1, s1  }
0x4: {  	s18 =	sshll.u32 s0, $0xA;
	s2 =	sadd.s32 s3, s2  }
0x5: {  	s2 =	sadd.s32 s2, s18  }
0x6: {  	[smem:$0x3F6B] =	sst s2  }
0x7: {  	_ = 	snop  }
0x8: {  	(tm) =	ssettm $0x1  }
0x9: {  	s19 =	sld [smem:$0x3FFB];
	_ =	sdelay $0x3  }
0xa: {  	_ =	strace s19  }
0xb: {  	s2 =	sld [smem:$0x3FFC];
	_ =	sdelay $0x3  }
0xc: {  	_ =	strace s2  }
0xd: {  	s2 =	sld [smem:$0x3FFD];
	_ =	sdelay $0x3  }
0xe: {  	_ =	strace s2  }
0xf: {  	_ =	strace $0x8FFFFFFF  }
0x10: {  	s20 =	sld [smem:$0x3FDB];
	_ =	sdelay $0x1  }
0x11: {  	s21 =	simm.s32 $_scs_section_size  }
0x12: {  	s4 =	simm.s32 $_size__tile_overlayer_lowered;
	s5 =	simm.s32 $_tile_overlayer_lowered  }
0x13: {  	s6 =	simm.s32 $0x1BFF;
	s22 =	sshll.u32 s5, $0x1;
	s3 =	sadd.s32 s21, s20  }
0x14: {  	s23 =	simm.s32 $0x0;
	s4 =	sshll.u32 s4, $0x1;
	s5 =	sadd.s32 s22, s3  }
0x15: {  	[timem:s23], [sflag:s6] =	dma.local [hbm:s5], s4  }
0x16: {  	_ =	swait.ge [sflag:s6], s4  }
0x17: {  	s4 =	ssub.s32 $0x0, s4;
	[sflag:s6] =	ssyncset.done $0x0  }
0x18: {  	[sflag:s6] =	ssyncadd.s32 s4;
	_ =	sdelay $0x1  }
0x19: {  	s24 =	simm.s32 $0x1B8B  }
0x1a: {  	_ =	swait.ge [sflag:s24], $0x1  }
0x1b: {  	[sflag:s24] =	ssyncset.done $0x0  }
0x1c: {  	[sflag:s24] =	ssyncadd.s32 $0xFFFFFFFF  }
0x1d: {  	s4 =	sld [smem:$0x0]  }
0x1e: {  	s5 =	sand.u32 $0xFFFFFFFE, s1  }
0x1f: {  	p0 =	sne.s32 s1, s5  }
0x20: {  	s5 =	sshll.u32 @p0 s5, $0xE  }
0x21: {  	s5 =	sadd.s32 @p0 $0x11B8D, s5;
	s6 =	sshll.u32 @p0 s4, $0x11  }
0x22: {  	s5 =	sor.u32 @p0 s6, s5  }
0x23: {  	[sflag:s5] =	ssyncadd.remote.s32 @p0 $0x1;
	_ =	sdelay $0x1  }
0x24: {  	s5 =	simm.s32 @p0 $0x1B8D  }
0x25: {  	_ =	swait.eq @p0 [sflag:s5], $0x1  }
0x26: {  	[sflag:s5] =	ssyncadd.s32 @p0 $0xFFFFFFFF  }
0x27: {  	s6 =	sshll.u32 @!p0 s1, $0xE  }
0x28: {  	s6 =	sor.u32 @!p0 $0x4000, s6;
	s5 =	simm.s32 @!p0 $0x1B8D  }
0x29: {  	s4 =	sshll.u32 @!p0 s4, $0x11;
	s6 =	sadd.s32 @!p0 $0x11B8D, s6;
	_ =	swait.eq @!p0 [sflag:s5], $0x1  }
0x2a: {  	s4 =	sor.u32 @!p0 s4, s6;
	[sflag:s5] =	ssyncadd.s32 @!p0 $0xFFFFFFFF  }
0x2b: {  	s26 =	simm.s32 $0x1B8E;
	s25 =	sld [smem:$0x3FFE];
	[sflag:s4] =	ssyncadd.remote.s32 @!p0 $0x1  }
0x2c: {  	s27 =	simm.s32 $execute0_lowered;
	[smem:$0x3FD2] =	sst s26  }
0x2d: {  	s5 =	sshll.u32 s27, $0x1;
	_ =	strace $0x80000049;
	[dreg:$0x1] =	wrdreg $0xFFFFFFFF  }
0x2e: {  	s28 =	simm.s32 $_size_execute0_lowered;
	s3 =	sadd.s32 s3, s5;
	[dreg:$0x0] =	wrdreg $0x0  }
0x2f: {  	s5 =	sshll.u32 s28, $0x1;
	[dreg:$0x2] =	wrdreg s3  }
0x30: {  	[dreg:$0x3] =	wrdreg s5  }
0x31: {  	[dreg:$0x4] =	wrdreg $0xC0  }
0x32: {  	_ =	task [dreg:s23], $0x5FFFF  }
0x33: {  	[dreg:$0x1] =	wrdreg $0xFFFFFFFF  }
0x34: {  	[dreg:$0x0] =	wrdreg $0x60  }
0x35: {  	[dreg:$0x2] =	wrdreg s25  }
0x36: {  	[dreg:$0x3] =	wrdreg $0x9  }
0x37: {  	_ =	task.clear_ibuf [dreg:s23], $0x4FFFF;
	_ =	strace $0x90000049  }
0x38: {  	s29 =	simm.s32 $0x9;
	_ =	strace $0x8000004B  }
0x39: {  	_ =	swait.ge [sflag:s29], $0x1  }
0x3a: {  	[sflag:s29] =	ssyncadd.s32 $0xFFFFFFFF  }
0x3b: {  	_ =	strace $0x9000004B  }
0x3c: {  	_ =	sfence  }
0x3d: {  	s30 =	sld [smem:$0x0];
	_ =	sdelay $0x2  }
0x3e: {  	s31 =	sshll.u32 s1, $0xD;
	s1 =	sshrl.u32 s1, $0x2  }
0x3f: {  	s4 =	sand.u32 $0x4000, s31;
	s1 =	sadd.s32 s1, s30  }
0x40: {  	s0 =	sor.u32 s4, s0;
	s1 =	sshll.u32 s1, $0x11  }
0x41: {  	s0 =	sor.u32 s1, s0  }
0x42: {  	s0 =	sadd.s32 $0x8F2B, s0  }
0x43: {  	[sflag:s0] =	ssyncadd.remote.s32 $0x1  }
0x44: {  	_ =	sfence.sel $0xFFFF  }
0x45: {  	[dreg:$0x0] =	wrdreg $0xFFFFFFFF;
	(pc) =	sbr.abs _section_cstart, $3  }
0x46: {  	[dreg:$0x1] =	wrdreg $0xFFFFFFFF  }
0x47: {  	_ =	task.clear_ibuf [dreg:s23], $0x2FFFF;
	_ =	strace $0x9FFFFFFF  }
0x48: {  	(tm) =	ssettm $0x7FFFFFFF  }
0x49: {  	_ =	shalt  }
tec
execute0_lowered:
.L_overlay_start_1:
0x0: {  	(tag) =	ssettag $0x1  }
0x1: {  	s1 =	rddreg [dreg:$0x0]  }
0x2: {  	s0 =	rddreg [dreg:$0x1];
	_ =	strace $0x8000004A  }
0x3: {  	s4 =	srdreg.scid;
	s6 =	simm.s32 $0x2;
	s13 =	simm.s32 $0x0  }
0x4: {  	p0 =	por $0x0, $0x0;
	s11 =	simm.s32 $0x0;
	s12 =	simm.s32 $0x0  }
.Ltmp0:
0x5: {  	s8 =	simm.s32 $0x0;
	s9 =	simm.s32 $0x0;
	(pc) =	sbr.rel .LBB1_1-.Ltmp0, $4  }
0x6: {  	s2 =	sadd.s32 $0x154000, s1;
	s3 =	sadd.s32 $0x554000, s1;
	s4 =	sshll.u32 s4, $0x4  }
0x7: {  	s1 =	stileid.u32;
	s5 =	sand.u32 $0x10, s4;
	s4 =	simm.s32 $0x1  }
0x8: {  	s7 =	simm.s32 $0x0;
	s5 =	sor.u32 s1, s5;
	[sflag:s4] =	ssyncpa.u1 $0x0  }
0x9: {  	[sflag:s6] =	ssyncpa.u1 $0x0;
	s6 =	simm.s32 $0x2000;
	s10 =	smov.u32 s5  }
.LBB1_5:
0xa: {  	s14 =	sadd.s32 $0x80, s8  }
0xb: {  	s11 =	sadd.s32 $0x80, s9;
	s15 =	smov.u32 s9;
	p2 =	sgt.s32 s14, $0x3FF  }
0xc: {  	s15 =	smov.u32 @p2 s11  }
0xd: {  	s17 =	smov.u32 s10;
	s11 =	sadd.s32 $0x20, s10;
	p3 =	sgt.s32 s15, $0x3FF  }
0xe: {  	p1 =	slt.u32 s7, $0x2;
	s17 =	smov.u32 @p3 s11  }
0xf: {  	s7 =	sadd.s32 $0x1, s7;
	s14 =	simm.s32 @p2 $0x0;
	p2 =	sgt.s32 s17, $0x1F  }
0x10: {  	s17 =	smov.u32 @p2 s5;
	p2 =	sne.s32 s7, $0x42  }
.Ltmp1:
0x11: {  	s16 =	simm.s32 @!p1 $0x2;
	(pc) =	sbr.rel @!p2 .LBB1_6-.Ltmp1, $4  }
0x12: {  	s13 =	smov.u32 s8;
	_ =	swait.ge @!p1 [sflag:s16], $0x4000  }
0x13: {  	s12 =	smov.u32 s10;
	p0 =	por !p0, !p0;
	[sflag:s16] =	ssyncset.done @!p1 $0x0  }
0x14: {  	s8 =	smov.u32 s14;
	s15 =	simm.s32 @p3 $0x0;
	s11 =	smov.u32 s9  }
0x15: {  	[sflag:s16] =	ssyncadd.s32 @!p1 $0xFFFFC000;
	s9 =	smov.u32 s15;
	s10 =	smov.u32 s17  }
.LBB1_1:
0x16: {  	p1 =	sgt.u32 s7, $0x3F  }
0x17: {  	s14 =	sshll.u32 @!p1 s9, $0x7  }
0x18: {  	s15 =	sxor.u32 @!p1 $0xFFFFFFFF, s7;
	s16 =	sand.u32 @!p1 $0x78, s8;
	s17 =	sand.u32 @!p1 $0x380, s14  }
0x19: {  	s15 =	sshll.u32 @!p1 s15, $0xE;
	s16 =	sor.u32 @!p1 s16, s17;
	s17 =	sshll.u32 @!p1 s10, $0x11  }
0x1a: {  	s14 =	sand.u32 @!p1 $0x1FC00, s14;
	s16 =	sshrl.u32 @!p1 s16, $0x3;
	s17 =	sadd.s32 @!p1 s2, s17  }
0x1b: {  	s14 =	sadd.s32 @!p1 s8, s14;
	s16 =	sadd.s32 @!p1 s16, s17;
	s17 =	sand.u32 @!p1 $0x7, s8  }
0x1c: {  	s15 =	sand.u32 @!p1 $0x4000, s15;
	s14 =	sand.u32 @!p1 $0x1FF80, s14;
	s17 =	sshll.u32 @!p1 s17, $0x12  }
0x1d: {  	s14 =	sadd.s32 @!p1 s14, s16;
	s16 =	sor.u32 @!p1 $0x400, s17;
	s17 =	simm.s32 @!p1 $0x2000  }
0x1e: {  	[tilespmem:s15], [sflag:$0x1] =	stream.strided.gather @!p1 [hbm4b:s14+s16], $0x4000, s17, s16, $0x38;
	[tilespmem:$0x10100] =	vst v63  }
0x1f: {  	p1 =	seq.s32 s7, $0x0  }
0x20: {  	p2 =	seq.s32 @!p1 s7, $0x41  }
0x21: {  	p1 =	por p1, p2  }
.Ltmp2:
0x22: {  	_ = 	snop;
	(pc) =	sbr.rel @p1 .LBB1_5-.Ltmp2, $1  }
0x23: {  	_ =	sdelay $0x3  }
0x24: {  	s14 =	simm.s32 $0x1  }
0x25: {  	_ =	swait.ge [sflag:s4], $0x4000;
	s14 =	simm.s32 @!p0 $0x0  }
0x26: {  	[sflag:s4] =	ssyncset.done $0x0;
	s15 =	sshll.u32 s14, $0xE  }
0x27: {  	[sflag:s4] =	ssyncadd.s32 $0xFFFFC000;
	s17 =	sor.u32 $0x40, s15  }
0x28: {  	s14 =	smul.u32 $0x10200, s14;
	v0 =	vld [tilespmem:s17+$0x30]  }
0x29: {  	v3 =	vld [tilespmem:s17+$0xFFFFFFD0]  }
0x2a: {  	s14 =	sshrl.u32 s14, $0x2;
	v4 =	vld [tilespmem:s17+$0xFFFFFFE0]  }
0x2b: {  	v5 =	vld [tilespmem:s17+$0xFFFFFFF0];
	s15 =	sor.u32 $0x8000, s14  }
0x2c: {  	s31 =	sand.u32 $0x1, s7;
	v1 =	vld [tilespmem:s17+$0x0];
	s16 =	sadd.s32 $0x0, s15  }
0x2d: {  	v2 =	vld [tilespmem:s17+$0x10];
	s14 =	smul.u32 $0x10200, s31;
	[tilespmem:s16+$0x3870 ss:$0x81] =	vst.msk $0xffff, v0  }
0x2e: {  	[tilespmem:s16+$0x810 ss:$0x81] =	vst.msk $0xffff, v3;
	v3 =	vld [tilespmem:s17+$0x20]  }
0x2f: {  	s14 =	sshrl.u32 s14, $0x2;
	v0 =	vld [tilespmem:s17+$0xFFFFFFC0];
	[tilespmem:s16+$0x1020 ss:$0x81] =	vst.msk $0xffff, v4;
	s17 =	sadd.s32 $0x80, s17  }
0x30: {  	s18 =	simm.s32 $0x4;
	s19 =	simm.s32 $0x8;
	s14 =	sor.u32 $0x8000, s14;
	[tilespmem:s16+$0x1830 ss:$0x81] =	vst.msk $0xffff, v5;
	v4 =	vld [tilespmem:s17+$0x30]  }
.LBB1_3:
0x31: {  	p1 =	sne.s32 s19, $0x1FC;
	v5 =	vld [tilespmem:s17+$0xFFFFFFD0];
	[tilespmem:s16+$0x2040 ss:$0x81] =	vst.msk $0xffff, v1  }
0x32: {  	v6 =	vld [tilespmem:s17+$0xFFFFFFE0];
	[tilespmem:s16+$0x2850 ss:$0x81] =	vst.msk $0xffff, v2  }
0x33: {  	s20 =	sshra.s32 s18, $0x2;
	s18 =	smov.u32 s19;
	v7 =	vld [tilespmem:s17+$0xFFFFFFF0];
	[tilespmem:s16+$0x3060 ss:$0x81] =	vst.msk $0xffff, v3  }
.Ltmp3:
0x34: {  	v1 =	vld [tilespmem:s17+$0x0];
	[tilespmem:s16+$0x0 ss:$0x81] =	vst.msk $0xffff, v0;
	s16 =	sadd.s32 s20, s15;
	(pc) =	sbr.rel @p1 .LBB1_3-.Ltmp3, $4  }
0x35: {  	v2 =	vld [tilespmem:s17+$0x10];
	[tilespmem:s16+$0x3870 ss:$0x81] =	vst.msk $0xffff, v4  }
0x36: {  	[tilespmem:s16+$0x810 ss:$0x81] =	vst.msk $0xffff, v5;
	v3 =	vld [tilespmem:s17+$0x20]  }
0x37: {  	v0 =	vld [tilespmem:s17+$0xFFFFFFC0];
	[tilespmem:s16+$0x1020 ss:$0x81] =	vst.msk $0xffff, v6;
	s17 =	sadd.s32 $0x80, s17  }
0x38: {  	s19 =	sadd.s32 $0x4, s19;
	v4 =	vld [tilespmem:s17+$0x30];
	[tilespmem:s16+$0x1830 ss:$0x81] =	vst.msk $0xffff, v7  }
0x39: {  	v5 =	vld [tilespmem:s17+$0xFFFFFFD0];
	[tilespmem:s16+$0x2040 ss:$0x81] =	vst.msk $0xffff, v1  }
0x3a: {  	v58 =	vld [tilespmem:s17+$0xFFFFFFE0];
	[tilespmem:s16+$0x2850 ss:$0x81] =	vst.msk $0xffff, v2  }
0x3b: {  	s18 =	sshra.s32 s18, $0x2;
	v59 =	vld [tilespmem:s17+$0xFFFFFFF0];
	[tilespmem:s16+$0x3060 ss:$0x81] =	vst.msk $0xffff, v3  }
0x3c: {  	v60 =	vld [tilespmem:s17+$0x0];
	s15 =	sadd.s32 s18, s15;
	[tilespmem:s16+$0x0 ss:$0x81] =	vst.msk $0xffff, v0  }
0x3d: {  	v61 =	vld [tilespmem:s17+$0x10];
	[tilespmem:s15+$0x3870 ss:$0x81] =	vst.msk $0xffff, v4  }
0x3e: {  	v62 =	vld [tilespmem:s17+$0x20];
	s26 =	sshll.u32 s13, $0xA;
	s27 =	sshll.u32 s11, $0x3;
	s29 =	sshll.u32 s13, $0x7;
	[tilespmem:s15+$0x810 ss:$0x81] =	vst.msk $0xffff, v5  }
0x3f: {  	v63 =	vld [tilespmem:s17+$0xFFFFFFC0];
	s30 =	sand.u32 $0x78, s11;
	s12 =	sshll.u32 s12, $0x11;
	s31 =	sand.u32 $0x7, s11;
	[tilespmem:s15+$0x1020 ss:$0x81] =	vst.msk $0xffff, v58  }
0x40: {  	s28 =	sand.u32 $0xFFC00, s27;
	s13 =	sand.u32 $0x380, s29;
	s16 =	sand.u32 $0xFE000, s26;
	[tilespmem:s15+$0x1830 ss:$0x81] =	vst.msk $0xffff, v59  }
.Ltmp4:
0x41: {  	s13 =	sor.u32 s30, s13;
	s16 =	sadd.s32 s28, s16;
	[tilespmem:s15+$0x2040 ss:$0x81] =	vst.msk $0xffff, v60;
	(pc) =	sbr.rel .LBB1_5-.Ltmp4, $4  }
0x42: {  	s12 =	sadd.s32 s3, s12;
	s13 =	sshrl.u32 s13, $0x3;
	s16 =	sshrl.u32 s16, $0x3;
	[tilespmem:s15+$0x2850 ss:$0x81] =	vst.msk $0xffff, v61  }
0x43: {  	s11 =	sshll.u32 s31, $0x12;
	s12 =	sadd.s32 s13, s12;
	[tilespmem:s15+$0x3060 ss:$0x81] =	vst.msk $0xffff, v62;
	s16 =	sand.u32 $0x1FF80, s16  }
0x44: {  	s11 =	sor.u32 $0x400, s11;
	[tilespmem:s15+$0x0 ss:$0x81] =	vst.msk $0xffff, v63;
	s12 =	sadd.s32 s16, s12  }
0x45: {  	[hbm4b:s12+s11] =	stream.strided.scatter [tilespmem:s14], [sflag:$0x2], $0x4000, s6, s11, $0x20;
	[tilespmem:$0x10100] =	vst v63  }
.LBB1_6:
0x46: {  	_ =	sfence.sel $0x180000  }
0x47: {  	s2 =	simm.s32 $0x1;
	[bflag:$0x0] =	sbarrier.arrive $0xFFFF  }
0x48: {  	s31 =	simm.s32 $0x2;
	[sflag:s2] =	ssyncpa.u1 $0x1  }
0x49: {  	[sflag:s31] =	ssyncpa.u1 $0x1  }
0x4a: {  	p0 =	sne.s32 s1, $0x0;
	_ =	strace $0x9000004A  }
0x4b: {  	s0 =	sadd.s32 @!p0 $0x100000, s0;
	[bflag:$0x2] =	sbarrier.arrive $0xFFFF  }
0x4c: {  	[sflag:s0] =	ssyncadd.tile.s32 @!p0 $0x1;
	_ =	shalt  }
.Lfunc_end1:
_tile_overlayer_lowered:
.L_overlay_start_2:
0x4d: {  	(tag) =	ssettag $0x2  }
0x4e: {  	s0 =	rddreg [dreg:$0x0];
	s2 =	stileid.u32  }
0x4f: {  	s1 =	rddreg [dreg:$0x1];
	p0 =	sne.s32 s2, $0x0  }
0x50: {  	s3 =	rddreg [dreg:$0x2];
	[bflag:$0x3] =	sbarrier.arrive $0xFFFF;
	s2 =	simm.s32 @!p0 $0x1C01  }
0x51: {  	[timem:s3], [sflag:s2] =	dma.local @!p0 [hbm:s0], s1  }
0x52: {  	s0 =	simm.s32 @!p0 $0x1  }
0x53: {  	_ =	swait.ge @!p0 [sflag:s0], s1  }
0x54: {  	s1 =	ssub.s32 @!p0 $0x0, s1;
	[sflag:s0] =	ssyncset.done @!p0 $0x0  }
0x55: {  	[sflag:s0] =	ssyncadd.s32 @!p0 s1  }
0x56: {  	[bflag:$0x3] =	sbarrier.arrive $0xFFFF  }
0x57: {  	_ =	shalt  }

// kernel: sparse-core-data-format-call.cloned.1.call-start
scs
called_computation_lowered:
.L_overlay_start_0:
0x0: {  	s1 =	sld [smem:$0x3FD9]  }
0x1: {  	s2 =	sld [smem:$0x3FFE];
	_ =	sdelay $0x1  }
0x2: {  	s3 =	srdreg.scid  }
0x3: {  	s0 =	sand.u32 $0x1, s3  }
0x4: {  	s17 =	sshll.u32 s0, $0xA;
	s1 =	sadd.s32 s2, s1  }
0x5: {  	s1 =	sadd.s32 s1, s17  }
0x6: {  	[smem:$0x3F6B] =	sst s1  }
0x7: {  	_ = 	snop  }
0x8: {  	(tm) =	ssettm $0x1  }
0x9: {  	s18 =	sld [smem:$0x3FFB];
	_ =	sdelay $0x3  }
0xa: {  	_ =	strace s18  }
0xb: {  	s1 =	sld [smem:$0x3FFC];
	_ =	sdelay $0x3  }
0xc: {  	_ =	strace s1  }
0xd: {  	s1 =	sld [smem:$0x3FFD];
	_ =	sdelay $0x3  }
0xe: {  	_ =	strace s1  }
0xf: {  	_ =	strace $0x8FFFFFFF  }
0x10: {  	s19 =	sld [smem:$0x3FDB];
	_ =	sdelay $0x1  }
0x11: {  	s20 =	simm.s32 $_scs_section_size  }
0x12: {  	s4 =	simm.s32 $_size__tile_overlayer_lowered;
	s5 =	simm.s32 $_tile_overlayer_lowered  }
0x13: {  	s23 =	simm.s32 $0x1BFF;
	s22 =	sshll.u32 s5, $0x1;
	s1 =	sadd.s32 s20, s19  }
0x14: {  	s6 =	simm.s32 $0x0;
	s21 =	sshll.u32 s4, $0x1;
	s4 =	sadd.s32 s22, s1  }
0x15: {  	[timem:s6], [sflag:s23] =	dma.local [hbm:s4], s21  }
0x16: {  	_ =	swait.ge [sflag:s23], s21  }
0x17: {  	s2 =	ssub.s32 $0x0, s21;
	[sflag:s23] =	ssyncset.done $0x0  }
0x18: {  	[sflag:s23] =	ssyncadd.s32 s2;
	_ =	sdelay $0x1  }
0x19: {  	s24 =	simm.s32 $0x1B8B  }
0x1a: {  	_ =	swait.ge [sflag:s24], $0x1  }
0x1b: {  	[sflag:s24] =	ssyncset.done $0x0  }
0x1c: {  	s26 =	simm.s32 $0x1B8E;
	s25 =	sld [smem:$0x3FFE];
	[sflag:s24] =	ssyncadd.s32 $0xFFFFFFFF  }
0x1d: {  	s27 =	simm.s32 $execute0_lowered;
	[smem:$0x3FD2] =	sst s26  }
0x1e: {  	s4 =	sshll.u32 s27, $0x1;
	_ =	strace $0x8000004C;
	[dreg:$0x1] =	wrdreg $0xFFFFFFFF  }
0x1f: {  	s28 =	simm.s32 $_size_execute0_lowered;
	s1 =	sadd.s32 s1, s4;
	[dreg:$0x0] =	wrdreg $0x0  }
0x20: {  	s4 =	sshll.u32 s28, $0x1;
	[dreg:$0x2] =	wrdreg s1  }
0x21: {  	[dreg:$0x3] =	wrdreg s4  }
0x22: {  	[dreg:$0x4] =	wrdreg $0xC0  }
0x23: {  	_ =	task [dreg:s6], $0x5FFFF  }
0x24: {  	[dreg:$0x1] =	wrdreg $0xFFFFFFFF  }
0x25: {  	[dreg:$0x0] =	wrdreg $0x60  }
0x26: {  	[dreg:$0x2] =	wrdreg s25  }
0x27: {  	[dreg:$0x3] =	wrdreg $0x9  }
0x28: {  	_ =	task.clear_ibuf [dreg:s6], $0x4FFFF;
	_ =	strace $0x9000004C  }
0x29: {  	s29 =	simm.s32 $0x9;
	_ =	strace $0x8000004E  }
0x2a: {  	_ =	swait.ge [sflag:s29], $0x1  }
0x2b: {  	[sflag:s29] =	ssyncadd.s32 $0xFFFFFFFF  }
0x2c: {  	_ =	strace $0x9000004E  }
0x2d: {  	_ =	sfence  }
0x2e: {  	s30 =	sld [smem:$0x0];
	_ =	sdelay $0x2  }
0x2f: {  	s31 =	sshll.u32 s3, $0xD;
	s3 =	sshrl.u32 s3, $0x2  }
0x30: {  	s2 =	sand.u32 $0x4000, s31;
	s1 =	sadd.s32 s3, s30  }
0x31: {  	s0 =	sor.u32 s2, s0;
	s1 =	sshll.u32 s1, $0x11  }
0x32: {  	s0 =	sor.u32 s1, s0  }
0x33: {  	s0 =	sadd.s32 $0x8F2B, s0  }
0x34: {  	[sflag:s0] =	ssyncadd.remote.s32 $0x1  }
0x35: {  	_ =	sfence.sel $0xFFFF  }
0x36: {  	[dreg:$0x0] =	wrdreg $0xFFFFFFFF;
	(pc) =	sbr.abs _section_cstart, $3  }
0x37: {  	[dreg:$0x1] =	wrdreg $0xFFFFFFFF  }
0x38: {  	_ =	task.clear_ibuf [dreg:s6], $0x2FFFF;
	_ =	strace $0x9FFFFFFF  }
0x39: {  	(tm) =	ssettm $0x7FFFFFFF  }
tec
execute0_lowered:
.L_overlay_start_1:
0x0: {  	(tag) =	ssettag $0x1  }
0x1: {  	s1 =	rddreg [dreg:$0x0]  }
0x2: {  	s0 =	rddreg [dreg:$0x1];
	_ =	strace $0x8000004D  }
0x3: {  	s4 =	srdreg.scid;
	s6 =	simm.s32 $0x2;
	s14 =	simm.s32 $0x0  }
0x4: {  	p0 =	por $0x0, $0x0;
	s15 =	simm.s32 $0x0;
	s16 =	simm.s32 $0x0  }
0x5: {  	s7 =	simm.s32 $0x0;
	s9 =	simm.s32 $0x0;
	s10 =	simm.s32 $0x0  }
.Ltmp0:
0x6: {  	s11 =	simm.s32 $0x0;
	s12 =	simm.s32 $0x0;
	(pc) =	sbr.rel .LBB1_1-.Ltmp0, $4  }
0x7: {  	s2 =	sadd.s32 $0x6CD000, s1;
	s3 =	sadd.s32 $0xCD000, s1;
	s4 =	sshll.u32 s4, $0x4  }
0x8: {  	s1 =	stileid.u32;
	s5 =	sand.u32 $0x10, s4;
	s4 =	simm.s32 $0x1  }
0x9: {  	s8 =	simm.s32 $0x0;
	s5 =	sor.u32 s1, s5;
	[sflag:s4] =	ssyncpa.u1 $0x0  }
0xa: {  	[sflag:s6] =	ssyncpa.u1 $0x0;
	s6 =	simm.s32 $0x20000;
	s13 =	smov.u32 s5  }
.LBB1_5:
0xb: {  	p1 =	slt.u32 s8, $0x2  }
0xc: {  	p2 =	sgt.s32 @!p1 s16, $0x1F  }
0xd: {  	s17 =	smov.u32 s16;
	s18 =	sshra.s32 @!p1 s16, $0x1F;
	p2 =	por !p2, p1  }
0xe: {  	s16 =	sand.u32 @!p1 s18, s16;
	s17 =	simm.s32 @p2 $0x1F  }
0xf: {  	p3 =	sgt.s32 @!p1 s15, $0x380;
	s16 =	ssub.s32 @!p1 s17, s16  }
0x10: {  	p3 =	por !p3, p1;
	s17 =	sadd.s32 @!p1 $0xFFFFFFE1, s16  }
0x11: {  	s18 =	sshra.s32 @!p1 s15, $0x1F;
	s16 =	ssub.s32 @!p1 $0x20, s16;
	p2 =	sgt.s32 @!p1 s17, $0x0  }
0x12: {  	s16 =	smul.u32 @!p1 $0x48, s16;
	s17 =	smov.u32 s15;
	s15 =	sand.u32 @!p1 s18, s15  }
0x13: {  	s18 =	smov.u32 s14;
	s17 =	simm.s32 @p3 $0x380;
	p3 =	sgt.s32 @!p1 s14, $0x6  }
0x14: {  	p3 =	por !p3, p1;
	s15 =	ssub.s32 @!p1 s17, s15;
	s17 =	sshra.s32 @!p1 s14, $0x1F  }
0x15: {  	s18 =	simm.s32 @p3 $0x6;
	s14 =	sand.u32 @!p1 s17, s14;
	s17 =	sadd.s32 @!p1 $0xFFFFFC80, s15  }
0x16: {  	p2 =	por !p2, p1;
	s14 =	ssub.s32 @!p1 s18, s14;
	p3 =	sgt.s32 @!p1 s17, $0x7F  }
0x17: {  	s15 =	ssub.s32 @!p1 $0x400, s15;
	s17 =	sadd.s32 @!p1 $0xFFFFFFFA, s14;
	p3 =	por !p3, p1  }
0x18: {  	s16 =	simm.s32 @!p2 $0x0;
	p2 =	sgt.s32 @!p1 s17, $0x1;
	s15 =	simm.s32 @!p3 $0x0  }
0x19: {  	s14 =	ssub.s32 @!p1 $0x8, s14;
	p2 =	por !p2, p1;
	s15 =	smul.u32 @!p1 s16, s15  }
0x1a: {  	s18 =	smov.u32 s12;
	s17 =	sadd.s32 $0x2, s11;
	s14 =	simm.s32 @!p2 $0x0  }
0x1b: {  	p2 =	sgt.s32 s17, $0x7;
	s14 =	smul.u32 @!p1 s14, s15;
	s15 =	sadd.s32 $0x80, s12  }
0x1c: {  	s19 =	smov.u32 s13;
	s18 =	smov.u32 @p2 s15  }
0x1d: {  	s8 =	sadd.s32 $0x1, s8;
	s15 =	sadd.s32 $0x20, s13;
	p3 =	sgt.s32 s18, $0x3FF  }
0x1e: {  	p0 =	por !p0, !p0;
	s20 =	simm.s32 @!p1 $0x2;
	s19 =	smov.u32 @p3 s15  }
0x1f: {  	s16 =	smov.u32 s10;
	s17 =	simm.s32 @p2 $0x0;
	p2 =	sgt.s32 s19, $0x1F  }
0x20: {  	s14 =	sshrl.u32 @!p1 s14, $0x1;
	s19 =	smov.u32 @p2 s5;
	p2 =	sne.s32 s8, $0x22  }
.Ltmp1:
0x21: {  	s10 =	smov.u32 s13;
	s14 =	sand.u32 @!p1 $0x3FFFFFFC, s14;
	(pc) =	sbr.rel @!p2 .LBB1_6-.Ltmp1, $4  }
0x22: {  	s18 =	simm.s32 @p3 $0x0;
	s15 =	smov.u32 s9;
	s9 =	smov.u32 s12  }
0x23: {  	_ =	swait.ge @!p1 [sflag:s20], s14;
	s21 =	ssub.s32 @!p1 $0x0, s14;
	s14 =	smov.u32 s7  }
0x24: {  	s7 =	smov.u32 s11;
	s11 =	smov.u32 s17;
	[sflag:s20] =	ssyncset.done @!p1 $0x0  }
0x25: {  	s12 =	smov.u32 s18;
	[sflag:s20] =	ssyncadd.s32 @!p1 s21;
	s13 =	smov.u32 s19  }
.LBB1_1:
0x26: {  	p1 =	sgt.u32 s8, $0x1F  }
0x27: {  	s17 =	sshll.u32 @!p1 s13, $0x10;
	s18 =	sshll.u32 @!p1 s12, $0x6;
	s19 =	sshll.u32 @!p1 s11, $0x3  }
0x28: {  	s20 =	sxor.u32 @!p1 $0xFFFFFFFF, s8;
	s17 =	sadd.s32 @!p1 s2, s17;
	s19 =	sand.u32 @!p1 $0x30, s19  }
0x29: {  	s17 =	sadd.s32 @!p1 s18, s17;
	s18 =	sshll.u32 @!p1 s20, $0xE;
	s20 =	simm.s32 @!p1 $0x200  }
0x2a: {  	s17 =	sadd.s32 @!p1 s19, s17;
	s18 =	sand.u32 @!p1 $0x4000, s18;
	s19 =	simm.s32 @!p1 $0x80  }
0x2b: {  	[tilespmem:s18], [sflag:$0x1] =	stream.strided.gather @!p1 [hbm4b:s17+s19], $0x4000, s20, s19, $0x38;
	[tilespmem:$0x10100] =	vst v63  }
0x2c: {  	p1 =	seq.s32 s8, $0x0  }
0x2d: {  	p2 =	seq.s32 @!p1 s8, $0x21  }
0x2e: {  	p1 =	por p1, p2  }
.Ltmp2:
0x2f: {  	_ = 	snop;
	(pc) =	sbr.rel @p1 .LBB1_5-.Ltmp2, $1  }
0x30: {  	_ =	sdelay $0x3  }
0x31: {  	s17 =	simm.s32 $0x1  }
0x32: {  	_ =	swait.ge [sflag:s4], $0x4000;
	s17 =	simm.s32 @!p0 $0x0  }
0x33: {  	[sflag:s4] =	ssyncset.done $0x0;
	s18 =	sshll.u32 s17, $0xE  }
0x34: {  	[sflag:s4] =	ssyncadd.s32 $0xFFFFC000;
	s18 =	sor.u32 $0x40, s18  }
0x35: {  	s17 =	smul.u32 $0x10200, s17;
	v0 =	vld [tilespmem:s18+$0x30]  }
0x36: {  	v1 =	vld [tilespmem:s18+$0xFFFFFFD0]  }
0x37: {  	s17 =	sshrl.u32 s17, $0x2;
	v5 =	vld [tilespmem:s18+$0xFFFFFFE0]  }
0x38: {  	v6 =	vld [tilespmem:s18+$0xFFFFFFF0];
	s20 =	sor.u32 $0x8000, s17  }
0x39: {  	s31 =	sand.u32 $0x1, s8;
	v4 =	vld [tilespmem:s18+$0x0];
	s19 =	sadd.s32 $0x0, s20  }
0x3a: {  	v3 =	vld [tilespmem:s18+$0x10];
	s17 =	smul.u32 $0x10200, s31;
	[tilespmem:s19+$0x3870 ss:$0x81] =	vst.msk $0xffff, v0  }
0x3b: {  	v2 =	vld [tilespmem:s18+$0x20];
	[tilespmem:s19+$0x810 ss:$0x81] =	vst.msk $0xffff, v1  }
0x3c: {  	s17 =	sshrl.u32 s17, $0x2;
	v1 =	vld [tilespmem:s18+$0xFFFFFFC0];
	[tilespmem:s19+$0x1020 ss:$0x81] =	vst.msk $0xffff, v5;
	s18 =	sadd.s32 $0x80, s18  }
0x3d: {  	s21 =	simm.s32 $0x4;
	s22 =	simm.s32 $0x8;
	s17 =	sor.u32 $0x8000, s17;
	[tilespmem:s19+$0x1830 ss:$0x81] =	vst.msk $0xffff, v6;
	v0 =	vld [tilespmem:s18+$0x30]  }
.LBB1_3:
0x3e: {  	p1 =	sne.s32 s22, $0x1FC;
	v5 =	vld [tilespmem:s18+$0xFFFFFFD0];
	[tilespmem:s19+$0x2040 ss:$0x81] =	vst.msk $0xffff, v4  }
0x3f: {  	v6 =	vld [tilespmem:s18+$0xFFFFFFE0];
	[tilespmem:s19+$0x2850 ss:$0x81] =	vst.msk $0xffff, v3  }
0x40: {  	s23 =	sshra.s32 s21, $0x2;
	s21 =	smov.u32 s22;
	v7 =	vld [tilespmem:s18+$0xFFFFFFF0];
	[tilespmem:s19+$0x3060 ss:$0x81] =	vst.msk $0xffff, v2  }
.Ltmp3:
0x41: {  	v4 =	vld [tilespmem:s18+$0x0];
	[tilespmem:s19+$0x0 ss:$0x81] =	vst.msk $0xffff, v1;
	s19 =	sadd.s32 s23, s20;
	(pc) =	sbr.rel @p1 .LBB1_3-.Ltmp3, $4  }
0x42: {  	v3 =	vld [tilespmem:s18+$0x10];
	[tilespmem:s19+$0x3870 ss:$0x81] =	vst.msk $0xffff, v0  }
0x43: {  	[tilespmem:s19+$0x810 ss:$0x81] =	vst.msk $0xffff, v5;
	v2 =	vld [tilespmem:s18+$0x20]  }
0x44: {  	v1 =	vld [tilespmem:s18+$0xFFFFFFC0];
	[tilespmem:s19+$0x1020 ss:$0x81] =	vst.msk $0xffff, v6;
	s18 =	sadd.s32 $0x80, s18  }
0x45: {  	s22 =	sadd.s32 $0x4, s22;
	v0 =	vld [tilespmem:s18+$0x30];
	[tilespmem:s19+$0x1830 ss:$0x81] =	vst.msk $0xffff, v7  }
0x46: {  	p1 =	sgt.s32 s10, $0x1F;
	s22 =	smov.u32 s10  }
0x47: {  	s23 =	sshra.s32 s10, $0x1F;
	s21 =	sshra.s32 s21, $0x2;
	p2 =	sgt.s32 s9, $0x380  }
0x48: {  	s24 =	sshra.s32 s9, $0x1F;
	s28 =	sshra.s32 s7, $0x1F;
	s31 =	sshll.u32 s7, $0x7  }
0x49: {  	s25 =	sshll.u32 s9, $0x1;
	s22 =	simm.s32 @!p1 $0x1F;
	s23 =	sand.u32 s23, s10  }
0x4a: {  	s20 =	sadd.s32 s21, s20;
	s27 =	sand.u32 s24, s9;
	s26 =	ssub.s32 s22, s23  }
0x4b: {  	s24 =	smov.u32 s7;
	s23 =	smov.u32 s9;
	s22 =	sadd.s32 $0xFFFFFFE1, s26  }
0x4c: {  	v5 =	vld [tilespmem:s18+$0xFFFFFFD0];
	[tilespmem:s19+$0x2040 ss:$0x81] =	vst.msk $0xffff, v4;
	s23 =	simm.s32 @!p2 $0x380;
	p2 =	sgt.s32 s7, $0x6;
	s21 =	ssub.s32 $0x20, s26  }
0x4d: {  	v58 =	vld [tilespmem:s18+$0xFFFFFFE0];
	[tilespmem:s19+$0x2850 ss:$0x81] =	vst.msk $0xffff, v3;
	p1 =	sgt.s32 s22, $0x0;
	s22 =	ssub.s32 s23, s27;
	s24 =	simm.s32 @!p2 $0x6  }
0x4e: {  	v59 =	vld [tilespmem:s18+$0xFFFFFFF0];
	[tilespmem:s19+$0x3060 ss:$0x81] =	vst.msk $0xffff, v2;
	s23 =	sand.u32 s28, s7;
	s21 =	smul.u32 $0x48, s21;
	s29 =	sadd.s32 $0xFFFFFC80, s22  }
0x4f: {  	v60 =	vld [tilespmem:s18+$0x0];
	[tilespmem:s19+$0x0 ss:$0x81] =	vst.msk $0xffff, v1;
	s23 =	ssub.s32 s24, s23;
	s22 =	ssub.s32 $0x400, s22;
	p2 =	sgt.s32 s29, $0x7F  }
0x50: {  	v61 =	vld [tilespmem:s18+$0x10];
	[tilespmem:s20+$0x3870 ss:$0x81] =	vst.msk $0xffff, v0;
	s30 =	sadd.s32 $0xFFFFFFFA, s23;
	s21 =	simm.s32 @p1 $0x0;
	s22 =	simm.s32 @p2 $0x0  }
0x51: {  	v62 =	vld [tilespmem:s18+$0x20];
	[tilespmem:s20+$0x810 ss:$0x81] =	vst.msk $0xffff, v5;
	s23 =	ssub.s32 $0x8, s23;
	p1 =	sgt.s32 s30, $0x1;
	s21 =	smul.u32 s21, s22  }
0x52: {  	v63 =	vld [tilespmem:s18+$0xFFFFFFC0];
	s26 =	sshll.u32 s10, $0x9;
	s19 =	sand.u32 $0xF0, s25;
	[tilespmem:s20+$0x1020 ss:$0x81] =	vst.msk $0xffff, v58;
	s23 =	simm.s32 @p1 $0x0  }
0x53: {  	s27 =	sshrl.u32 s9, $0x1;
	s24 =	sand.u32 $0x300, s31;
	[tilespmem:s20+$0x1830 ss:$0x81] =	vst.msk $0xffff, v59;
	s21 =	smul.u32 s23, s21  }
.Ltmp4:
0x54: {  	[tilespmem:s20+$0x2040 ss:$0x81] =	vst.msk $0xffff, v60;
	s18 =	sor.u32 s19, s24;
	s29 =	sand.u32 $0x7, s9;
	(pc) =	sbr.rel .LBB1_5-.Ltmp4, $4  }
0x55: {  	[tilespmem:s20+$0x2850 ss:$0x81] =	vst.msk $0xffff, v61;
	s18 =	sshrl.u32 s18, $0x4;
	s22 =	sadd.s32 s3, s26;
	s23 =	sand.u32 $0x1C0, s27  }
0x56: {  	[tilespmem:s20+$0x3060 ss:$0x81] =	vst.msk $0xffff, v62;
	s28 =	sadd.s32 s23, s22;
	s22 =	sshll.u32 s29, $0x12;
	s21 =	sshrl.u32 s21, $0x1  }
0x57: {  	[tilespmem:s20+$0x0 ss:$0x81] =	vst.msk $0xffff, v63;
	s18 =	sadd.s32 s18, s28;
	s31 =	sor.u32 $0x80, s22;
	s30 =	sand.u32 $0x3FFFFFFC, s21  }
0x58: {  	[hbm4b:s18+s31] =	stream.strided.scatter [tilespmem:s17], [sflag:$0x2], s30, s6, s31, $0x20;
	[tilespmem:$0x10100] =	vst v63  }
.LBB1_6:
0x59: {  	_ =	sfence.sel $0x180000  }
0x5a: {  	s2 =	simm.s32 $0x1;
	[bflag:$0x0] =	sbarrier.arrive $0xFFFF  }
0x5b: {  	s31 =	simm.s32 $0x2;
	[sflag:s2] =	ssyncpa.u1 $0x1  }
0x5c: {  	[sflag:s31] =	ssyncpa.u1 $0x1  }
0x5d: {  	p0 =	sne.s32 s1, $0x0;
	_ =	strace $0x9000004D  }
0x5e: {  	s0 =	sadd.s32 @!p0 $0x100000, s0;
	[bflag:$0x2] =	sbarrier.arrive $0xFFFF  }
0x5f: {  	[sflag:s0] =	ssyncadd.tile.s32 @!p0 $0x1;
	_ =	shalt  }
.Lfunc_end1:
_tile_overlayer_lowered:
.L_overlay_start_2:
0x60: {  	(tag) =	ssettag $0x2  }
0x61: {  	s0 =	rddreg [dreg:$0x0];
	s2 =	stileid.u32  }
0x62: {  	s1 =	rddreg [dreg:$0x1];
	p0 =	sne.s32 s2, $0x0  }
0x63: {  	s3 =	rddreg [dreg:$0x2];
	[bflag:$0x3] =	sbarrier.arrive $0xFFFF;
	s2 =	simm.s32 @!p0 $0x1C01  }
0x64: {  	[timem:s3], [sflag:s2] =	dma.local @!p0 [hbm:s0], s1  }
0x65: {  	s0 =	simm.s32 @!p0 $0x1  }
0x66: {  	_ =	swait.ge @!p0 [sflag:s0], s1  }
0x67: {  	s1 =	ssub.s32 @!p0 $0x0, s1;
	[sflag:s0] =	ssyncset.done @!p0 $0x0  }
0x68: {  	[sflag:s0] =	ssyncadd.s32 @!p0 s1  }
0x69: {  	[bflag:$0x3] =	sbarrier.arrive $0xFFFF  }
0x6a: {  	_ =	shalt  }

</sc_bundles>
